<compile_context>
chip_gen: v7x
topology: tpu7x:2x2x1
jax: 0.10.2.dev20260603
libtpu: 0.0.44.dev20260713+nightly
codegen_flags: <defaults>
</compile_context>

<pallas_src>
import functools

import jax
import jax.numpy as jnp
from jax import lax
from jax.experimental import pallas as pl
from jax.experimental.pallas import tpu as pltpu
from jax.experimental.pallas import tpu_sc as plsc

R, C = 64, 100000
BC = 2048
GRID = (C + BC - 1) // BC


def _rotl(x, r):
    return (x << jnp.uint32(r)) | (x >> jnp.uint32(32 - r))


def _threefry_bits(n):
    k0 = jnp.uint32(0)
    k1 = jnp.uint32(42)
    ks = [k0, k1, jnp.uint32(0x1BD11BDA) ^ k0 ^ k1]
    rot_even = (13, 15, 26, 6)
    rot_odd = (17, 29, 16, 24)
    t = n + k1
    x0 = t
    x1 = _rotl(t, 13) ^ t
    for r in rot_even[1:]:
        x0 = x0 + x1
        x1 = _rotl(x1, r)
        x1 = x1 ^ x0
    x0 = x0 + ks[1]
    x1 = x1 + ks[2] + jnp.uint32(1)
    for i in range(1, 5):
        for r in rot_even if i % 2 == 0 else rot_odd:
            x0 = x0 + x1
            x1 = _rotl(x1, r)
            x1 = x1 ^ x0
        x0 = x0 + ks[(i + 1) % 3]
        x1 = x1 + ks[(i + 2) % 3] + jnp.uint32(i + 1)
    return x0 ^ x1


def _gumbel(rows, cols):
    n = (rows * C + cols).astype(jnp.uint32)
    bits = _threefry_bits(n)
    fb = (bits >> jnp.uint32(9)) | jnp.uint32(0x3F800000)
    u = jax.lax.bitcast_convert_type(fb, jnp.float32) - jnp.float32(1.0)
    eps = jnp.float32(1e-10)
    return -jnp.log(-jnp.log(u + eps) + eps)


def _argmax_body(x_ref, o_ref, maxv_ref, argf_ref):
    step = pl.program_id(0)
    shape = (R, BC)
    cols = jax.lax.broadcasted_iota(jnp.int32, shape, 1) + step * BC
    rows = jax.lax.broadcasted_iota(jnp.int32, shape, 0)
    y = x_ref[...] + _gumbel(rows, cols)
    y = jnp.where(cols < C, y, -jnp.inf)
    m = jnp.max(y, axis=1, keepdims=True)
    cand = jnp.where(y == m, cols, jnp.int32(2**31 - 1))
    a = jnp.min(cand, axis=1, keepdims=True)
    o_ref[...] = jnp.zeros(shape, jnp.float32)

    @pl.when(step == 0)
    def _():
        maxv_ref[...] = m
        argf_ref[...] = a

    @pl.when(step > 0)
    def _():
        upd = m > maxv_ref[...]
        maxv_ref[...] = jnp.where(upd, m, maxv_ref[...])
        argf_ref[...] = jnp.where(upd, a, argf_ref[...])

    @pl.when(step == GRID - 1)
    def _():
        riota = jax.lax.broadcasted_iota(jnp.int32, (R, 1), 0)
        argf_ref[...] = riota * C + argf_ref[...]


_sc_mesh = plsc.VectorSubcoreMesh(core_axis_name="c", subcore_axis_name="s")


@functools.partial(
    pl.kernel,
    mesh=_sc_mesh,
    scratch_types=[
        pltpu.VMEM((R,), jnp.int32),
        pltpu.VMEM((R,), jnp.float32),
        pltpu.SemaphoreType.DMA,
    ],
)
def _sc_scatter_ones(idx_hbm, out_hbm, idx_v, ones_v, sem):
    @pl.when((lax.axis_index("c") == 0) & (lax.axis_index("s") == 0))
    def _():
        pltpu.sync_copy(idx_hbm, idx_v)
        for i in range(R // 16):
            ones_v[pl.ds(i * 16, 16)] = jnp.ones((16,), jnp.float32)
        pltpu.async_copy(ones_v, out_hbm.at[idx_v], sem).wait()


@jax.jit
def kernel(logits):
    zeros_out, _, argf = pl.pallas_call(
        _argmax_body,
        grid=(GRID,),
        in_specs=[pl.BlockSpec((R, BC), lambda i: (0, i))],
        out_specs=[
            pl.BlockSpec((R, BC), lambda i: (0, i)),
            pl.BlockSpec((R, 1), lambda i: (0, 0)),
            pl.BlockSpec((R, 1), lambda i: (0, 0)),
        ],
        out_shape=[
            jax.ShapeDtypeStruct((R, C), jnp.float32),
            jax.ShapeDtypeStruct((R, 1), jnp.float32),
            jax.ShapeDtypeStruct((R, 1), jnp.int32),
        ],
        compiler_params=pltpu.CompilerParams(
            dimension_semantics=("arbitrary",)),
    )(logits)
    out_ref = jax.new_ref(zeros_out.reshape(R * C))
    _sc_scatter_ones(argf.reshape(R), out_ref)
    return out_ref[...].reshape(R, C)

# --- scband reference (transcript-rebuilt; emitter-appended) ---
"""Pipeline reference for scband-gumbel-softmax-module-50972671869234 (READ-ONLY COPY).

The authoritative reference and input builder live on the scoring server;
editing this copy changes nothing except your own understanding.
"""

import jax, jax.numpy as jnp
import numpy as np

TAU = 1.0
HARD = True
EPS = 1e-10
DIM = -1


def setup_inputs(seed: int = 0) -> dict:
    key = jax.random.key(seed)
    logits = jax.random.normal(key, (64, 100000), dtype=jnp.float32)
    return {"logits": logits}


def reference(logits):
    # sample_gumbel: U ~ Uniform(0,1); g = -log(-log(U + eps) + eps)
    noise_key = jax.random.key(42)
    U = jax.random.uniform(noise_key, logits.shape, dtype=logits.dtype)
    gumbel_noise = -jnp.log(-jnp.log(U + EPS) + EPS)
    y = logits + gumbel_noise
    y_soft = jax.nn.softmax(y / TAU, axis=DIM)
    if HARD:
        # straight-through: hard one-hot in fwd, soft gradient in bwd
        index = jnp.argmax(y_soft, axis=DIM)
        y_hard = jax.nn.one_hot(index, logits.shape[DIM], dtype=logits.dtype)
        y = jax.lax.stop_gradient(y_hard - y_soft) + y_soft
    else:
        y = y_soft
    return y

if __name__ == "__main__":
    import jax
    _d = setup_inputs()
    print(jax.jit(kernel)(*tuple(_d.values())))

</pallas_src>

<mosaic_0001>
#map = affine_map<(d0, d1) -> (0)>
module attributes {stable_mosaic.version = 14 : i64} {
  func.func @new_body(%arg0: i32, %arg1: i32, %arg2: memref<64xi32, #tpu.memory_space<hbm>>, %arg3: memref<6400000xf32, #tpu.memory_space<hbm>>, %arg4: memref<6400000xf32, #tpu.memory_space<hbm>>, %arg5: memref<64xi32, #tpu.memory_space<vmem>>, %arg6: memref<64xf32, #tpu.memory_space<vmem>>, %arg7: memref<!tpu.dma_semaphore, #tpu.memory_space<semaphore_mem>>) attributes {dimension_semantics = [#tpu.dimension_semantics<core_parallel>, #tpu.dimension_semantics<subcore_parallel>], iteration_bounds = array<i64: 2, 16>, scalar_prefetch = 0 : i64, scratch_operands = 3 : i64, tpu.core_type = #tpu.core_type<sc_vector_subcore>, window_params = [{transform_indices = #map}, {transform_indices = #map}, {transform_indices = #map}]} {
    %eq3A = arith.constant 0 : i32
    %eq3A_0 = arith.cmpi eq, %arg0, %eq3A : i32
    %eq3A_1 = arith.constant 0 : i32
    %eq3A_2 = arith.cmpi eq, %arg1, %eq3A_1 : i32
    %and3A = arith.andi %eq3A_0, %eq3A_2 : i1
    %convert_element_type3A = arith.extui %and3A : i1 to i32
    %cond3A = arith.constant 0 : i32
    %cond3A_3 = arith.cmpi ne, %convert_element_type3A, %cond3A : i32
    scf.if %cond3A_3 {
      "tpu.region"() ({
        %run_scoped3A = tpu.sem_alloc : memref<!tpu.dma_semaphore, #tpu.memory_space<semaphore_mem>>
        tpu.enqueue_dma source(%arg2 : memref<64xi32, #tpu.memory_space<hbm>>) target(%arg5 : memref<64xi32, #tpu.memory_space<vmem>>) target_semaphore(%run_scoped3A : memref<!tpu.dma_semaphore, #tpu.memory_space<semaphore_mem>>)
        tpu.wait_dma2 semaphore(%run_scoped3A : memref<!tpu.dma_semaphore, #tpu.memory_space<semaphore_mem>>) src(%arg2 : memref<64xi32, #tpu.memory_space<hbm>>) dst(%arg5 : memref<64xi32, #tpu.memory_space<vmem>>)
        tpu.yield
      }) : () -> ()
      %broadcast_in_dim3A = arith.constant 1.000000e+00 : f32
      %broadcast_in_dim3A_4 = vector.broadcast %broadcast_in_dim3A : f32 to vector<16xf32>
      %swap3A = arith.constant 0 : index
      %swap3A_5 = tpu.vector_load %arg6[%swap3A] {strides = array<i32>} : memref<64xf32, #tpu.memory_space<vmem>>, vector<16xf32>,
      %swap3A_6 = vector.shape_cast %swap3A_5 : vector<16xf32> to vector<16xf32>
      %swap3A_7 = vector.shape_cast %broadcast_in_dim3A_4 : vector<16xf32> to vector<16xf32>
      tpu.vector_store %arg6[%swap3A], %swap3A_7 {strides = array<i32>} : memref<64xf32, #tpu.memory_space<vmem>>, vector<16xf32>,
      %broadcast_in_dim3A_8 = arith.constant 1.000000e+00 : f32
      %broadcast_in_dim3A_9 = vector.broadcast %broadcast_in_dim3A_8 : f32 to vector<16xf32>
      %swap3A_10 = arith.constant 16 : index
      %swap3A_11 = tpu.vector_load %arg6[%swap3A_10] {strides = array<i32>} : memref<64xf32, #tpu.memory_space<vmem>>, vector<16xf32>,
      %swap3A_12 = vector.shape_cast %swap3A_11 : vector<16xf32> to vector<16xf32>
      %swap3A_13 = vector.shape_cast %broadcast_in_dim3A_9 : vector<16xf32> to vector<16xf32>
      tpu.vector_store %arg6[%swap3A_10], %swap3A_13 {strides = array<i32>} : memref<64xf32, #tpu.memory_space<vmem>>, vector<16xf32>,
      %broadcast_in_dim3A_14 = arith.constant 1.000000e+00 : f32
      %broadcast_in_dim3A_15 = vector.broadcast %broadcast_in_dim3A_14 : f32 to vector<16xf32>
      %swap3A_16 = arith.constant 32 : index
      %swap3A_17 = tpu.vector_load %arg6[%swap3A_16] {strides = array<i32>} : memref<64xf32, #tpu.memory_space<vmem>>, vector<16xf32>,
      %swap3A_18 = vector.shape_cast %swap3A_17 : vector<16xf32> to vector<16xf32>
      %swap3A_19 = vector.shape_cast %broadcast_in_dim3A_15 : vector<16xf32> to vector<16xf32>
      tpu.vector_store %arg6[%swap3A_16], %swap3A_19 {strides = array<i32>} : memref<64xf32, #tpu.memory_space<vmem>>, vector<16xf32>,
      %broadcast_in_dim3A_20 = arith.constant 1.000000e+00 : f32
      %broadcast_in_dim3A_21 = vector.broadcast %broadcast_in_dim3A_20 : f32 to vector<16xf32>
      %swap3A_22 = arith.constant 48 : index
      %swap3A_23 = tpu.vector_load %arg6[%swap3A_22] {strides = array<i32>} : memref<64xf32, #tpu.memory_space<vmem>>, vector<16xf32>,
      %swap3A_24 = vector.shape_cast %swap3A_23 : vector<16xf32> to vector<16xf32>
      %swap3A_25 = vector.shape_cast %broadcast_in_dim3A_21 : vector<16xf32> to vector<16xf32>
      tpu.vector_store %arg6[%swap3A_22], %swap3A_25 {strides = array<i32>} : memref<64xf32, #tpu.memory_space<vmem>>, vector<16xf32>,
      %dma_start3A = arith.constant 0 : i32
      %dma_start3A_26 = tpu.memref_slice %arg3[%dma_start3A] : memref<6400000xf32, #tpu.memory_space<hbm>> -> memref<6400000xf32, #tpu.memory_space<hbm>>
      tpu.enqueue_indirect_dma source(%arg6 : memref<64xf32, #tpu.memory_space<vmem>>) target(%dma_start3A_26 : memref<6400000xf32, #tpu.memory_space<hbm>>) offsets(%arg5 : memref<64xi32, #tpu.memory_space<vmem>>) semaphore(%arg7 : memref<!tpu.dma_semaphore, #tpu.memory_space<semaphore_mem>>)
      %dma_wait3A = arith.constant 0 : i32
      %dma_wait3A_27 = tpu.memref_slice %arg3[%dma_wait3A] : memref<6400000xf32, #tpu.memory_space<hbm>> -> memref<6400000xf32, #tpu.memory_space<hbm>>
      tpu.wait_indirect_dma semaphore(%arg7 : memref<!tpu.dma_semaphore, #tpu.memory_space<semaphore_mem>>) src(%arg6 : memref<64xf32, #tpu.memory_space<vmem>>) dst(%dma_wait3A_27 : memref<6400000xf32, #tpu.memory_space<hbm>>)
    } else {
    }
    return
  }
}

module attributes {stable_mosaic.version = 14 : i64} {
  func.func @_argmax_body(%arg0: i32, %arg1: memref<64x2048xf32, #tpu.memory_space<vmem>>, %arg2: memref<64x2048xf32, #tpu.memory_space<vmem>>, %arg3: memref<64x1xf32, #tpu.memory_space<vmem>>, %arg4: memref<64x1xi32, #tpu.memory_space<vmem>>) attributes {dimension_semantics = [#tpu.dimension_semantics<arbitrary>], iteration_bounds = array<i64: 49>, scalar_prefetch = 0 : i64, scratch_operands = 0 : i64, tpu.core_type = #tpu.core_type<tc>, window_params = [{transform_indices = @transform_0, window_bounds = array<i64: 64, 2048>}, {transform_indices = @transform_1, window_bounds = array<i64: 64, 2048>}, {pipeline_mode = #tpu.pipeline_mode<synchronous>, transform_indices = @transform_2, window_bounds = array<i64: 64, 1>}, {pipeline_mode = #tpu.pipeline_mode<synchronous>, transform_indices = @transform_3, window_bounds = array<i64: 64, 1>}]} {
    %iota3A = tpu.iota {dimensions = array<i32: 1>} : vector<64x2048xi32>
    %mul3A = arith.constant 2048 : i32
    %mul3A_0 = arith.muli %arg0, %mul3A : i32
    %add3A = vector.broadcast %mul3A_0 : i32 to vector<64x2048xi32>
    %add3A_1 = arith.addi %iota3A, %add3A : vector<64x2048xi32>
    %iota3A_2 = tpu.iota {dimensions = array<i32: 0>} : vector<64x2048xi32>
    %get3A = arith.constant 0 : index
    %get3A_3 = arith.constant 0 : index
    %get3A_4 = vector.load %arg1[%get3A, %get3A_3] : memref<64x2048xf32, #tpu.memory_space<vmem>>, vector<64x2048xf32>
    %mul3A_5 = arith.constant 100000 : i32
    %mul3A_6 = vector.broadcast %mul3A_5 : i32 to vector<64x2048xi32>
    %mul3A_7 = arith.muli %iota3A_2, %mul3A_6 : vector<64x2048xi32>
    %add3A_8 = arith.addi %mul3A_7, %add3A_1 : vector<64x2048xi32>
    %xor3A = arith.constant 466688986 : i32
    %xor3A_9 = arith.constant 0 : i32
    %xor3A_10 = arith.xori %xor3A, %xor3A_9 : i32
    %xor3A_11 = arith.constant 42 : i32
    %xor3A_12 = arith.xori %xor3A_10, %xor3A_11 : i32
    %add3A_13 = arith.constant 42 : i32
    %add3A_14 = vector.broadcast %add3A_13 : i32 to vector<64x2048xi32>
    %add3A_15 = arith.addi %add3A_8, %add3A_14 : vector<64x2048xi32>
    %shift_left3A = arith.constant 13 : i32
    %shift_left3A_16 = vector.broadcast %shift_left3A : i32 to vector<64x2048xi32>
    %shift_left3A_17 = arith.shli %add3A_15, %shift_left3A_16 : vector<64x2048xi32>
    %shift_right_logical3A = arith.constant 19 : i32
    %shift_right_logical3A_18 = vector.broadcast %shift_right_logical3A : i32 to vector<64x2048xi32>
    %shift_right_logical3A_19 = arith.shrui %add3A_15, %shift_right_logical3A_18 : vector<64x2048xi32>
    %or3A = arith.ori %shift_left3A_17, %shift_right_logical3A_19 : vector<64x2048xi32>
    %xor3A_20 = arith.xori %or3A, %add3A_15 : vector<64x2048xi32>
    %add3A_21 = arith.addi %add3A_15, %xor3A_20 : vector<64x2048xi32>
    %shift_left3A_22 = arith.constant 15 : i32
    %shift_left3A_23 = vector.broadcast %shift_left3A_22 : i32 to vector<64x2048xi32>
    %shift_left3A_24 = arith.shli %xor3A_20, %shift_left3A_23 : vector<64x2048xi32>
    %shift_right_logical3A_25 = arith.constant 17 : i32
    %shift_right_logical3A_26 = vector.broadcast %shift_right_logical3A_25 : i32 to vector<64x2048xi32>
    %shift_right_logical3A_27 = arith.shrui %xor3A_20, %shift_right_logical3A_26 : vector<64x2048xi32>
    %or3A_28 = arith.ori %shift_left3A_24, %shift_right_logical3A_27 : vector<64x2048xi32>
    %xor3A_29 = arith.xori %or3A_28, %add3A_21 : vector<64x2048xi32>
    %add3A_30 = arith.addi %add3A_21, %xor3A_29 : vector<64x2048xi32>
    %shift_left3A_31 = arith.constant 26 : i32
    %shift_left3A_32 = vector.broadcast %shift_left3A_31 : i32 to vector<64x2048xi32>
    %shift_left3A_33 = arith.shli %xor3A_29, %shift_left3A_32 : vector<64x2048xi32>
    %shift_right_logical3A_34 = arith.constant 6 : i32
    %shift_right_logical3A_35 = vector.broadcast %shift_right_logical3A_34 : i32 to vector<64x2048xi32>
    %shift_right_logical3A_36 = arith.shrui %xor3A_29, %shift_right_logical3A_35 : vector<64x2048xi32>
    %or3A_37 = arith.ori %shift_left3A_33, %shift_right_logical3A_36 : vector<64x2048xi32>
    %xor3A_38 = arith.xori %or3A_37, %add3A_30 : vector<64x2048xi32>
    %add3A_39 = arith.addi %add3A_30, %xor3A_38 : vector<64x2048xi32>
    %shift_left3A_40 = arith.constant 6 : i32
    %shift_left3A_41 = vector.broadcast %shift_left3A_40 : i32 to vector<64x2048xi32>
    %shift_left3A_42 = arith.shli %xor3A_38, %shift_left3A_41 : vector<64x2048xi32>
    %shift_right_logical3A_43 = arith.constant 26 : i32
    %shift_right_logical3A_44 = vector.broadcast %shift_right_logical3A_43 : i32 to vector<64x2048xi32>
    %shift_right_logical3A_45 = arith.shrui %xor3A_38, %shift_right_logical3A_44 : vector<64x2048xi32>
    %or3A_46 = arith.ori %shift_left3A_42, %shift_right_logical3A_45 : vector<64x2048xi32>
    %xor3A_47 = arith.xori %or3A_46, %add3A_39 : vector<64x2048xi32>
    %add3A_48 = arith.constant 42 : i32
    %add3A_49 = vector.broadcast %add3A_48 : i32 to vector<64x2048xi32>
    %add3A_50 = arith.addi %add3A_39, %add3A_49 : vector<64x2048xi32>
    %add3A_51 = vector.broadcast %xor3A_12 : i32 to vector<64x2048xi32>
    %add3A_52 = arith.addi %xor3A_47, %add3A_51 : vector<64x2048xi32>
    %add3A_53 = arith.constant 1 : i32
    %add3A_54 = vector.broadcast %add3A_53 : i32 to vector<64x2048xi32>
    %add3A_55 = arith.addi %add3A_52, %add3A_54 : vector<64x2048xi32>
    %add3A_56 = arith.addi %add3A_50, %add3A_55 : vector<64x2048xi32>
    %shift_left3A_57 = arith.constant 17 : i32
    %shift_left3A_58 = vector.broadcast %shift_left3A_57 : i32 to vector<64x2048xi32>
    %shift_left3A_59 = arith.shli %add3A_55, %shift_left3A_58 : vector<64x2048xi32>
    %shift_right_logical3A_60 = arith.constant 15 : i32
    %shift_right_logical3A_61 = vector.broadcast %shift_right_logical3A_60 : i32 to vector<64x2048xi32>
    %shift_right_logical3A_62 = arith.shrui %add3A_55, %shift_right_logical3A_61 : vector<64x2048xi32>
    %or3A_63 = arith.ori %shift_left3A_59, %shift_right_logical3A_62 : vector<64x2048xi32>
    %xor3A_64 = arith.xori %or3A_63, %add3A_56 : vector<64x2048xi32>
    %add3A_65 = arith.addi %add3A_56, %xor3A_64 : vector<64x2048xi32>
    %shift_left3A_66 = arith.constant 29 : i32
    %shift_left3A_67 = vector.broadcast %shift_left3A_66 : i32 to vector<64x2048xi32>
    %shift_left3A_68 = arith.shli %xor3A_64, %shift_left3A_67 : vector<64x2048xi32>
    %shift_right_logical3A_69 = arith.constant 3 : i32
    %shift_right_logical3A_70 = vector.broadcast %shift_right_logical3A_69 : i32 to vector<64x2048xi32>
    %shift_right_logical3A_71 = arith.shrui %xor3A_64, %shift_right_logical3A_70 : vector<64x2048xi32>
    %or3A_72 = arith.ori %shift_left3A_68, %shift_right_logical3A_71 : vector<64x2048xi32>
    %xor3A_73 = arith.xori %or3A_72, %add3A_65 : vector<64x2048xi32>
    %add3A_74 = arith.addi %add3A_65, %xor3A_73 : vector<64x2048xi32>
    %shift_left3A_75 = arith.constant 16 : i32
    %shift_left3A_76 = vector.broadcast %shift_left3A_75 : i32 to vector<64x2048xi32>
    %shift_left3A_77 = arith.shli %xor3A_73, %shift_left3A_76 : vector<64x2048xi32>
    %shift_right_logical3A_78 = arith.constant 16 : i32
    %shift_right_logical3A_79 = vector.broadcast %shift_right_logical3A_78 : i32 to vector<64x2048xi32>
    %shift_right_logical3A_80 = arith.shrui %xor3A_73, %shift_right_logical3A_79 : vector<64x2048xi32>
    %or3A_81 = arith.ori %shift_left3A_77, %shift_right_logical3A_80 : vector<64x2048xi32>
    %xor3A_82 = arith.xori %or3A_81, %add3A_74 : vector<64x2048xi32>
    %add3A_83 = arith.addi %add3A_74, %xor3A_82 : vector<64x2048xi32>
    %shift_left3A_84 = arith.constant 24 : i32
    %shift_left3A_85 = vector.broadcast %shift_left3A_84 : i32 to vector<64x2048xi32>
    %shift_left3A_86 = arith.shli %xor3A_82, %shift_left3A_85 : vector<64x2048xi32>
    %shift_right_logical3A_87 = arith.constant 8 : i32
    %shift_right_logical3A_88 = vector.broadcast %shift_right_logical3A_87 : i32 to vector<64x2048xi32>
    %shift_right_logical3A_89 = arith.shrui %xor3A_82, %shift_right_logical3A_88 : vector<64x2048xi32>
    %or3A_90 = arith.ori %shift_left3A_86, %shift_right_logical3A_89 : vector<64x2048xi32>
    %xor3A_91 = arith.xori %or3A_90, %add3A_83 : vector<64x2048xi32>
    %add3A_92 = vector.broadcast %xor3A_12 : i32 to vector<64x2048xi32>
    %add3A_93 = arith.addi %add3A_83, %add3A_92 : vector<64x2048xi32>
    %add3A_94 = arith.constant 0 : i32
    %add3A_95 = vector.broadcast %add3A_94 : i32 to vector<64x2048xi32>
    %add3A_96 = arith.addi %xor3A_91, %add3A_95 : vector<64x2048xi32>
    %add3A_97 = arith.constant 2 : i32
    %add3A_98 = vector.broadcast %add3A_97 : i32 to vector<64x2048xi32>
    %add3A_99 = arith.addi %add3A_96, %add3A_98 : vector<64x2048xi32>
    %add3A_100 = arith.addi %add3A_93, %add3A_99 : vector<64x2048xi32>
    %shift_left3A_101 = arith.constant 13 : i32
    %shift_left3A_102 = vector.broadcast %shift_left3A_101 : i32 to vector<64x2048xi32>
    %shift_left3A_103 = arith.shli %add3A_99, %shift_left3A_102 : vector<64x2048xi32>
    %shift_right_logical3A_104 = arith.constant 19 : i32
    %shift_right_logical3A_105 = vector.broadcast %shift_right_logical3A_104 : i32 to vector<64x2048xi32>
    %shift_right_logical3A_106 = arith.shrui %add3A_99, %shift_right_logical3A_105 : vector<64x2048xi32>
    %or3A_107 = arith.ori %shift_left3A_103, %shift_right_logical3A_106 : vector<64x2048xi32>
    %xor3A_108 = arith.xori %or3A_107, %add3A_100 : vector<64x2048xi32>
    %add3A_109 = arith.addi %add3A_100, %xor3A_108 : vector<64x2048xi32>
    %shift_left3A_110 = arith.constant 15 : i32
    %shift_left3A_111 = vector.broadcast %shift_left3A_110 : i32 to vector<64x2048xi32>
    %shift_left3A_112 = arith.shli %xor3A_108, %shift_left3A_111 : vector<64x2048xi32>
    %shift_right_logical3A_113 = arith.constant 17 : i32
    %shift_right_logical3A_114 = vector.broadcast %shift_right_logical3A_113 : i32 to vector<64x2048xi32>
    %shift_right_logical3A_115 = arith.shrui %xor3A_108, %shift_right_logical3A_114 : vector<64x2048xi32>
    %or3A_116 = arith.ori %shift_left3A_112, %shift_right_logical3A_115 : vector<64x2048xi32>
    %xor3A_117 = arith.xori %or3A_116, %add3A_109 : vector<64x2048xi32>
    %add3A_118 = arith.addi %add3A_109, %xor3A_117 : vector<64x2048xi32>
    %shift_left3A_119 = arith.constant 26 : i32
    %shift_left3A_120 = vector.broadcast %shift_left3A_119 : i32 to vector<64x2048xi32>
    %shift_left3A_121 = arith.shli %xor3A_117, %shift_left3A_120 : vector<64x2048xi32>
    %shift_right_logical3A_122 = arith.constant 6 : i32
    %shift_right_logical3A_123 = vector.broadcast %shift_right_logical3A_122 : i32 to vector<64x2048xi32>
    %shift_right_logical3A_124 = arith.shrui %xor3A_117, %shift_right_logical3A_123 : vector<64x2048xi32>
    %or3A_125 = arith.ori %shift_left3A_121, %shift_right_logical3A_124 : vector<64x2048xi32>
    %xor3A_126 = arith.xori %or3A_125, %add3A_118 : vector<64x2048xi32>
    %add3A_127 = arith.addi %add3A_118, %xor3A_126 : vector<64x2048xi32>
    %shift_left3A_128 = arith.constant 6 : i32
    %shift_left3A_129 = vector.broadcast %shift_left3A_128 : i32 to vector<64x2048xi32>
    %shift_left3A_130 = arith.shli %xor3A_126, %shift_left3A_129 : vector<64x2048xi32>
    %shift_right_logical3A_131 = arith.constant 26 : i32
    %shift_right_logical3A_132 = vector.broadcast %shift_right_logical3A_131 : i32 to vector<64x2048xi32>
    %shift_right_logical3A_133 = arith.shrui %xor3A_126, %shift_right_logical3A_132 : vector<64x2048xi32>
    %or3A_134 = arith.ori %shift_left3A_130, %shift_right_logical3A_133 : vector<64x2048xi32>
    %xor3A_135 = arith.xori %or3A_134, %add3A_127 : vector<64x2048xi32>
    %add3A_136 = arith.constant 0 : i32
    %add3A_137 = vector.broadcast %add3A_136 : i32 to vector<64x2048xi32>
    %add3A_138 = arith.addi %add3A_127, %add3A_137 : vector<64x2048xi32>
    %add3A_139 = arith.constant 42 : i32
    %add3A_140 = vector.broadcast %add3A_139 : i32 to vector<64x2048xi32>
    %add3A_141 = arith.addi %xor3A_135, %add3A_140 : vector<64x2048xi32>
    %add3A_142 = arith.constant 3 : i32
    %add3A_143 = vector.broadcast %add3A_142 : i32 to vector<64x2048xi32>
    %add3A_144 = arith.addi %add3A_141, %add3A_143 : vector<64x2048xi32>
    %add3A_145 = arith.addi %add3A_138, %add3A_144 : vector<64x2048xi32>
    %shift_left3A_146 = arith.constant 17 : i32
    %shift_left3A_147 = vector.broadcast %shift_left3A_146 : i32 to vector<64x2048xi32>
    %shift_left3A_148 = arith.shli %add3A_144, %shift_left3A_147 : vector<64x2048xi32>
    %shift_right_logical3A_149 = arith.constant 15 : i32
    %shift_right_logical3A_150 = vector.broadcast %shift_right_logical3A_149 : i32 to vector<64x2048xi32>
    %shift_right_logical3A_151 = arith.shrui %add3A_144, %shift_right_logical3A_150 : vector<64x2048xi32>
    %or3A_152 = arith.ori %shift_left3A_148, %shift_right_logical3A_151 : vector<64x2048xi32>
    %xor3A_153 = arith.xori %or3A_152, %add3A_145 : vector<64x2048xi32>
    %add3A_154 = arith.addi %add3A_145, %xor3A_153 : vector<64x2048xi32>
    %shift_left3A_155 = arith.constant 29 : i32
    %shift_left3A_156 = vector.broadcast %shift_left3A_155 : i32 to vector<64x2048xi32>
    %shift_left3A_157 = arith.shli %xor3A_153, %shift_left3A_156 : vector<64x2048xi32>
    %shift_right_logical3A_158 = arith.constant 3 : i32
    %shift_right_logical3A_159 = vector.broadcast %shift_right_logical3A_158 : i32 to vector<64x2048xi32>
    %shift_right_logical3A_160 = arith.shrui %xor3A_153, %shift_right_logical3A_159 : vector<64x2048xi32>
    %or3A_161 = arith.ori %shift_left3A_157, %shift_right_logical3A_160 : vector<64x2048xi32>
    %xor3A_162 = arith.xori %or3A_161, %add3A_154 : vector<64x2048xi32>
    %add3A_163 = arith.addi %add3A_154, %xor3A_162 : vector<64x2048xi32>
    %shift_left3A_164 = arith.constant 16 : i32
    %shift_left3A_165 = vector.broadcast %shift_left3A_164 : i32 to vector<64x2048xi32>
    %shift_left3A_166 = arith.shli %xor3A_162, %shift_left3A_165 : vector<64x2048xi32>
    %shift_right_logical3A_167 = arith.constant 16 : i32
    %shift_right_logical3A_168 = vector.broadcast %shift_right_logical3A_167 : i32 to vector<64x2048xi32>
    %shift_right_logical3A_169 = arith.shrui %xor3A_162, %shift_right_logical3A_168 : vector<64x2048xi32>
    %or3A_170 = arith.ori %shift_left3A_166, %shift_right_logical3A_169 : vector<64x2048xi32>
    %xor3A_171 = arith.xori %or3A_170, %add3A_163 : vector<64x2048xi32>
    %add3A_172 = arith.addi %add3A_163, %xor3A_171 : vector<64x2048xi32>
    %shift_left3A_173 = arith.constant 24 : i32
    %shift_left3A_174 = vector.broadcast %shift_left3A_173 : i32 to vector<64x2048xi32>
    %shift_left3A_175 = arith.shli %xor3A_171, %shift_left3A_174 : vector<64x2048xi32>
    %shift_right_logical3A_176 = arith.constant 8 : i32
    %shift_right_logical3A_177 = vector.broadcast %shift_right_logical3A_176 : i32 to vector<64x2048xi32>
    %shift_right_logical3A_178 = arith.shrui %xor3A_171, %shift_right_logical3A_177 : vector<64x2048xi32>
    %or3A_179 = arith.ori %shift_left3A_175, %shift_right_logical3A_178 : vector<64x2048xi32>
    %xor3A_180 = arith.xori %or3A_179, %add3A_172 : vector<64x2048xi32>
    %add3A_181 = arith.constant 42 : i32
    %add3A_182 = vector.broadcast %add3A_181 : i32 to vector<64x2048xi32>
    %add3A_183 = arith.addi %add3A_172, %add3A_182 : vector<64x2048xi32>
    %add3A_184 = vector.broadcast %xor3A_12 : i32 to vector<64x2048xi32>
    %add3A_185 = arith.addi %xor3A_180, %add3A_184 : vector<64x2048xi32>
    %add3A_186 = arith.constant 4 : i32
    %add3A_187 = vector.broadcast %add3A_186 : i32 to vector<64x2048xi32>
    %add3A_188 = arith.addi %add3A_185, %add3A_187 : vector<64x2048xi32>
    %add3A_189 = arith.addi %add3A_183, %add3A_188 : vector<64x2048xi32>
    %shift_left3A_190 = arith.constant 13 : i32
    %shift_left3A_191 = vector.broadcast %shift_left3A_190 : i32 to vector<64x2048xi32>
    %shift_left3A_192 = arith.shli %add3A_188, %shift_left3A_191 : vector<64x2048xi32>
    %shift_right_logical3A_193 = arith.constant 19 : i32
    %shift_right_logical3A_194 = vector.broadcast %shift_right_logical3A_193 : i32 to vector<64x2048xi32>
    %shift_right_logical3A_195 = arith.shrui %add3A_188, %shift_right_logical3A_194 : vector<64x2048xi32>
    %or3A_196 = arith.ori %shift_left3A_192, %shift_right_logical3A_195 : vector<64x2048xi32>
    %xor3A_197 = arith.xori %or3A_196, %add3A_189 : vector<64x2048xi32>
    %add3A_198 = arith.addi %add3A_189, %xor3A_197 : vector<64x2048xi32>
    %shift_left3A_199 = arith.constant 15 : i32
    %shift_left3A_200 = vector.broadcast %shift_left3A_199 : i32 to vector<64x2048xi32>
    %shift_left3A_201 = arith.shli %xor3A_197, %shift_left3A_200 : vector<64x2048xi32>
    %shift_right_logical3A_202 = arith.constant 17 : i32
    %shift_right_logical3A_203 = vector.broadcast %shift_right_logical3A_202 : i32 to vector<64x2048xi32>
    %shift_right_logical3A_204 = arith.shrui %xor3A_197, %shift_right_logical3A_203 : vector<64x2048xi32>
    %or3A_205 = arith.ori %shift_left3A_201, %shift_right_logical3A_204 : vector<64x2048xi32>
    %xor3A_206 = arith.xori %or3A_205, %add3A_198 : vector<64x2048xi32>
    %add3A_207 = arith.addi %add3A_198, %xor3A_206 : vector<64x2048xi32>
    %shift_left3A_208 = arith.constant 26 : i32
    %shift_left3A_209 = vector.broadcast %shift_left3A_208 : i32 to vector<64x2048xi32>
    %shift_left3A_210 = arith.shli %xor3A_206, %shift_left3A_209 : vector<64x2048xi32>
    %shift_right_logical3A_211 = arith.constant 6 : i32
    %shift_right_logical3A_212 = vector.broadcast %shift_right_logical3A_211 : i32 to vector<64x2048xi32>
    %shift_right_logical3A_213 = arith.shrui %xor3A_206, %shift_right_logical3A_212 : vector<64x2048xi32>
    %or3A_214 = arith.ori %shift_left3A_210, %shift_right_logical3A_213 : vector<64x2048xi32>
    %xor3A_215 = arith.xori %or3A_214, %add3A_207 : vector<64x2048xi32>
    %add3A_216 = arith.addi %add3A_207, %xor3A_215 : vector<64x2048xi32>
    %shift_left3A_217 = arith.constant 6 : i32
    %shift_left3A_218 = vector.broadcast %shift_left3A_217 : i32 to vector<64x2048xi32>
    %shift_left3A_219 = arith.shli %xor3A_215, %shift_left3A_218 : vector<64x2048xi32>
    %shift_right_logical3A_220 = arith.constant 26 : i32
    %shift_right_logical3A_221 = vector.broadcast %shift_right_logical3A_220 : i32 to vector<64x2048xi32>
    %shift_right_logical3A_222 = arith.shrui %xor3A_215, %shift_right_logical3A_221 : vector<64x2048xi32>
    %or3A_223 = arith.ori %shift_left3A_219, %shift_right_logical3A_222 : vector<64x2048xi32>
    %xor3A_224 = arith.xori %or3A_223, %add3A_216 : vector<64x2048xi32>
    %add3A_225 = vector.broadcast %xor3A_12 : i32 to vector<64x2048xi32>
    %add3A_226 = arith.addi %add3A_216, %add3A_225 : vector<64x2048xi32>
    %add3A_227 = arith.constant 0 : i32
    %add3A_228 = vector.broadcast %add3A_227 : i32 to vector<64x2048xi32>
    %add3A_229 = arith.addi %xor3A_224, %add3A_228 : vector<64x2048xi32>
    %add3A_230 = arith.constant 5 : i32
    %add3A_231 = vector.broadcast %add3A_230 : i32 to vector<64x2048xi32>
    %add3A_232 = arith.addi %add3A_229, %add3A_231 : vector<64x2048xi32>
    %xor3A_233 = arith.xori %add3A_226, %add3A_232 : vector<64x2048xi32>
    %shift_right_logical3A_234 = arith.constant 9 : i32
    %shift_right_logical3A_235 = vector.broadcast %shift_right_logical3A_234 : i32 to vector<64x2048xi32>
    %shift_right_logical3A_236 = arith.shrui %xor3A_233, %shift_right_logical3A_235 : vector<64x2048xi32>
    %or3A_237 = arith.constant 1065353216 : i32
    %or3A_238 = vector.broadcast %or3A_237 : i32 to vector<64x2048xi32>
    %or3A_239 = arith.ori %shift_right_logical3A_236, %or3A_238 : vector<64x2048xi32>
    %bitcast_convert_type3A = tpu.bitcast %or3A_239 : vector<64x2048xi32> -> vector<64x2048xf32>
    %sub3A = arith.constant 1.000000e+00 : f32
    %sub3A_240 = vector.broadcast %sub3A : f32 to vector<64x2048xf32>
    %sub3A_241 = arith.subf %bitcast_convert_type3A, %sub3A_240 : vector<64x2048xf32>
    %add3A_242 = arith.constant 1.000000e-10 : f32
    %add3A_243 = vector.broadcast %add3A_242 : f32 to vector<64x2048xf32>
    %add3A_244 = arith.addf %sub3A_241, %add3A_243 : vector<64x2048xf32>
    %log3A = math.log %add3A_244 : vector<64x2048xf32>
    %neg3A = arith.constant 0.000000e+00 : f32
    %neg3A_245 = vector.broadcast %neg3A : f32 to vector<64x2048xf32>
    %neg3A_246 = arith.subf %neg3A_245, %log3A : vector<64x2048xf32>
    %add3A_247 = arith.constant 1.000000e-10 : f32
    %add3A_248 = vector.broadcast %add3A_247 : f32 to vector<64x2048xf32>
    %add3A_249 = arith.addf %neg3A_246, %add3A_248 : vector<64x2048xf32>
    %log3A_250 = math.log %add3A_249 : vector<64x2048xf32>
    %neg3A_251 = arith.constant 0.000000e+00 : f32
    %neg3A_252 = vector.broadcast %neg3A_251 : f32 to vector<64x2048xf32>
    %neg3A_253 = arith.subf %neg3A_252, %log3A_250 : vector<64x2048xf32>
    %add3A_254 = arith.addf %get3A_4, %neg3A_253 : vector<64x2048xf32>
    %lt3A = arith.constant 100000 : i32
    %lt3A_255 = vector.broadcast %lt3A : i32 to vector<64x2048xi32>
    %lt3A_256 = arith.cmpi slt, %add3A_1, %lt3A_255 : vector<64x2048xi32>
    %jit3A = arith.constant 0xFF800000 : f32
    %broadcast_in_dim3A = vector.broadcast %jit3A : f32 to vector<64x2048xf32>
    %select_n3A = arith.select %lt3A_256, %add3A_254, %broadcast_in_dim3A : vector<64x2048xi1>, vector<64x2048xf32>
    %reduce_max3A = arith.constant dense<0xFF800000> : vector<64xf32>
    %reduce_max3A_257 = vector.multi_reduction <maximumf>, %select_n3A, %reduce_max3A [1] : vector<64x2048xf32> to vector<64xf32>
    %broadcast_in_dim3A_258 = vector.shape_cast %reduce_max3A_257 : vector<64xf32> to vector<64x1xf32>
    %eq3A = vector.broadcast %broadcast_in_dim3A_258 : vector<64x1xf32> to vector<64x2048xf32>
    %eq3A_259 = arith.cmpf oeq, %select_n3A, %eq3A : vector<64x2048xf32>
    %jit3A_260 = arith.constant 2147483647 : i32
    %broadcast_in_dim3A_261 = vector.broadcast %jit3A_260 : i32 to vector<64x2048xi32>
    %select_n3A_262 = arith.select %eq3A_259, %add3A_1, %broadcast_in_dim3A_261 : vector<64x2048xi1>, vector<64x2048xi32>
    %reduce_min3A = arith.constant dense<2147483647> : vector<64xi32>
    %reduce_min3A_263 = vector.multi_reduction <minsi>, %select_n3A_262, %reduce_min3A [1] : vector<64x2048xi32> to vector<64xi32>
    %broadcast_in_dim3A_264 = vector.shape_cast %reduce_min3A_263 : vector<64xi32> to vector<64x1xi32>
    %broadcast_in_dim3A_265 = arith.constant 0.000000e+00 : f32
    %broadcast_in_dim3A_266 = vector.broadcast %broadcast_in_dim3A_265 : f32 to vector<64x2048xf32>
    %swap3A = arith.constant 0 : index
    %swap3A_267 = arith.constant 0 : index
    %swap3A_268 = vector.load %arg2[%swap3A, %swap3A_267] : memref<64x2048xf32, #tpu.memory_space<vmem>>, vector<64x2048xf32>
    tpu.vector_store %arg2[%swap3A, %swap3A_267], %broadcast_in_dim3A_266 {strides = array<i32>} : memref<64x2048xf32, #tpu.memory_space<vmem>>, vector<64x2048xf32>,
    %eq3A_269 = arith.constant 0 : i32
    %eq3A_270 = arith.cmpi eq, %arg0, %eq3A_269 : i32
    %convert_element_type3A = arith.extui %eq3A_270 : i1 to i32
    %cond3A = arith.constant 0 : i32
    %cond3A_271 = arith.cmpi ne, %convert_element_type3A, %cond3A : i32
    scf.if %cond3A_271 {
      %swap3A_281 = arith.constant 0 : index
      %swap3A_282 = arith.constant 0 : index
      %swap3A_283 = vector.load %arg3[%swap3A_281, %swap3A_282] : memref<64x1xf32, #tpu.memory_space<vmem>>, vector<64x1xf32>
      tpu.vector_store %arg3[%swap3A_281, %swap3A_282], %broadcast_in_dim3A_258 {strides = array<i32>} : memref<64x1xf32, #tpu.memory_space<vmem>>, vector<64x1xf32>,
      %swap3A_284 = arith.constant 0 : index
      %swap3A_285 = arith.constant 0 : index
      %swap3A_286 = vector.load %arg4[%swap3A_284, %swap3A_285] : memref<64x1xi32, #tpu.memory_space<vmem>>, vector<64x1xi32>
      tpu.vector_store %arg4[%swap3A_284, %swap3A_285], %broadcast_in_dim3A_264 {strides = array<i32>} : memref<64x1xi32, #tpu.memory_space<vmem>>, vector<64x1xi32>,
    } else {
    }
    %gt3A = arith.constant 0 : i32
    %gt3A_272 = arith.cmpi sgt, %arg0, %gt3A : i32
    %convert_element_type3A_273 = arith.extui %gt3A_272 : i1 to i32
    %cond3A_274 = arith.constant 0 : i32
    %cond3A_275 = arith.cmpi ne, %convert_element_type3A_273, %cond3A_274 : i32
    scf.if %cond3A_275 {
      %get3A_281 = arith.constant 0 : index
      %get3A_282 = arith.constant 0 : index
      %get3A_283 = vector.load %arg3[%get3A_281, %get3A_282] : memref<64x1xf32, #tpu.memory_space<vmem>>, vector<64x1xf32>
      %gt3A_284 = arith.cmpf ogt, %broadcast_in_dim3A_258, %get3A_283 : vector<64x1xf32>
      %get3A_285 = arith.constant 0 : index
      %get3A_286 = arith.constant 0 : index
      %get3A_287 = vector.load %arg3[%get3A_285, %get3A_286] : memref<64x1xf32, #tpu.memory_space<vmem>>, vector<64x1xf32>
      %select_n3A_288 = arith.select %gt3A_284, %broadcast_in_dim3A_258, %get3A_287 : vector<64x1xi1>, vector<64x1xf32>
      %swap3A_289 = arith.constant 0 : index
      %swap3A_290 = arith.constant 0 : index
      %swap3A_291 = vector.load %arg3[%swap3A_289, %swap3A_290] : memref<64x1xf32, #tpu.memory_space<vmem>>, vector<64x1xf32>
      tpu.vector_store %arg3[%swap3A_289, %swap3A_290], %select_n3A_288 {strides = array<i32>} : memref<64x1xf32, #tpu.memory_space<vmem>>, vector<64x1xf32>,
      %get3A_292 = arith.constant 0 : index
      %get3A_293 = arith.constant 0 : index
      %get3A_294 = vector.load %arg4[%get3A_292, %get3A_293] : memref<64x1xi32, #tpu.memory_space<vmem>>, vector<64x1xi32>
      %select_n3A_295 = arith.select %gt3A_284, %broadcast_in_dim3A_264, %get3A_294 : vector<64x1xi1>, vector<64x1xi32>
      %swap3A_296 = arith.constant 0 : index
      %swap3A_297 = arith.constant 0 : index
      %swap3A_298 = vector.load %arg4[%swap3A_296, %swap3A_297] : memref<64x1xi32, #tpu.memory_space<vmem>>, vector<64x1xi32>
      tpu.vector_store %arg4[%swap3A_296, %swap3A_297], %select_n3A_295 {strides = array<i32>} : memref<64x1xi32, #tpu.memory_space<vmem>>, vector<64x1xi32>,
    } else {
    }
    %eq3A_276 = arith.constant 48 : i32
    %eq3A_277 = arith.cmpi eq, %arg0, %eq3A_276 : i32
    %convert_element_type3A_278 = arith.extui %eq3A_277 : i1 to i32
    %cond3A_279 = arith.constant 0 : i32
    %cond3A_280 = arith.cmpi ne, %convert_element_type3A_278, %cond3A_279 : i32
    scf.if %cond3A_280 {
      %iota3A_281 = tpu.iota {dimensions = array<i32: 0>} : vector<64x1xi32>
      %mul3A_282 = arith.constant 100000 : i32
      %mul3A_283 = vector.broadcast %mul3A_282 : i32 to vector<64x1xi32>
      %mul3A_284 = arith.muli %iota3A_281, %mul3A_283 : vector<64x1xi32>
      %get3A_285 = arith.constant 0 : index
      %get3A_286 = arith.constant 0 : index
      %get3A_287 = vector.load %arg4[%get3A_285, %get3A_286] : memref<64x1xi32, #tpu.memory_space<vmem>>, vector<64x1xi32>
      %add3A_288 = arith.addi %mul3A_284, %get3A_287 : vector<64x1xi32>
      %swap3A_289 = arith.constant 0 : index
      %swap3A_290 = arith.constant 0 : index
      %swap3A_291 = vector.load %arg4[%swap3A_289, %swap3A_290] : memref<64x1xi32, #tpu.memory_space<vmem>>, vector<64x1xi32>
      tpu.vector_store %arg4[%swap3A_289, %swap3A_290], %add3A_288 {strides = array<i32>} : memref<64x1xi32, #tpu.memory_space<vmem>>, vector<64x1xi32>,
    } else {
    }
    return
  }
  func.func @transform_0(%arg0: i32) -> (i32, i32) {
    %c0_i32 = arith.constant 0 : i32
    %c0_i32_0 = arith.constant 0 : i32
    return %c0_i32, %arg0 : i32, i32
  }
  func.func @transform_1(%arg0: i32) -> (i32, i32) {
    %c0_i32 = arith.constant 0 : i32
    %c0_i32_0 = arith.constant 0 : i32
    return %c0_i32, %arg0 : i32, i32
  }
  func.func @transform_2(%arg0: i32) -> (i32, i32) {
    %c0_i32 = arith.constant 0 : i32
    %c0_i32_0 = arith.constant 0 : i32
    %c0_i32_1 = arith.constant 0 : i32
    return %c0_i32, %c0_i32_0 : i32, i32
  }
  func.func @transform_3(%arg0: i32) -> (i32, i32) {
    %c0_i32 = arith.constant 0 : i32
    %c0_i32_0 = arith.constant 0 : i32
    %c0_i32_1 = arith.constant 0 : i32
    return %c0_i32, %c0_i32_0 : i32, i32
  }
}

</mosaic_0001>

<sc_bundles>
// kernel: kernel.4.cloned.1.call-start
scs
__scs_entry_jumppad:
0x0: {  	(pc) =	sbr.rel $0x88, $3  }
0x1: {  	(tag) =	ssettag $0x0;
	lr =	simm.s32 $0x1  }
0x2: {  	[smem:$0x3FA0] =	sst lr;
	_ =	strace $0xD0000000  }
0x3: {  	_ = 	snop  }
0x4: {  	_ = 	snop  }
0x5: {  	_ = 	snop  }
0x6: {  	_ = 	snop  }
0x7: {  	_ = 	snop  }
__scs_overlays_trampoline_lowered:
0x8: {  	[smem:$0x3FAF] =	sst s0  }
0x9: {  	[smem:$0x3FB0] =	sst s1  }
0xa: {  	[smem:$0x3FB1] =	sst s2  }
0xb: {  	[smem:$0x3FB2] =	sst s3  }
0xc: {  	[smem:$0x3FB3] =	sst s4  }
0xd: {  	[smem:$0x3FB4] =	sst s5  }
0xe: {  	[smem:$0x3FB5] =	sst s6  }
0xf: {  	[smem:$0x3FB6] =	sst s7  }
0x10: {  	[smem:$0x3FB7] =	sst s8  }
0x11: {  	[smem:$0x3FB8] =	sst s9;
	s0 =	simm.s32 @!p0 $0x0  }
0x12: {  	s1 =	sld [smem:$0x3F9E];
	s0 =	simm.s32 @p0 $0x1  }
0x13: {  	[smem:$0x3FB9] =	sst s0;
	s0 =	simm.s32 @!p1 $0x0  }
0x14: {  	s2 =	sld [smem:$0x3F9D];
	s0 =	simm.s32 @p1 $0x1  }
0x15: {  	[smem:$0x3FBA] =	sst s0;
	s0 =	simm.s32 @!p2 $0x0  }
0x16: {  	s3 =	sld [smem:$0x3FDB];
	s0 =	simm.s32 @p2 $0x1  }
0x17: {  	s4 =	simm.s32 $0x1BF5;
	[smem:$0x3FBC] =	sst s0  }
0x18: {  	s0 =	sld [smem:$0x3F9F];
	_ =	swait.ge [sflag:s4], $0x0  }
0x19: {  	s7 =	sld [smem:$0x3FA0]  }
0x1a: {  	s8 =	sadd.s32 $0xFFFFE003, lr  }
0x1b: {  	s9 =	sadd.s32 $0xFFFFFEF7, lr;
	s5 =	simm.s32 $0xFFFFFFFF;
	p2 =	slt.u32 s8, $0xFFFFF086  }
0x1c: {  	p1 =	slt.u32 s9, $0xF7A;
	s5 =	simm.s32 @!p2 $0x0  }
0x1d: {  	s5 =	simm.s32 @p1 $0x1;
	p0 =	seq.s32 s7, s2  }
0x1e: {  	s7 =	smul.u32 @!p0 $0xF7A, s2;
	p2 =	seq.s32 @!p0 s5, $0x0  }
0x1f: {  	s9 =	smul.u32 $0xF7A, s1;
	s8 =	simm.s32 @!p0 $0x1BF5;
	p2 =	por !p2, p0  }
0x20: {  	[sflag:s8] =	ssyncset.s32 @!p0 $0xFFFFF086;
	s6 =	sadd.s32 @!p0 s3, s7;
	s7 =	simm.s32 @!p0 $0x108  }
0x21: {  	s3 =	sadd.s32 s3, s9;
	s6 =	sadd.s32 @!p0 $0x88, s6;
	s7 =	simm.s32 @p2 $0x1082  }
0x22: {  	[simem:s7], [sflag:s8] =	dma.local @!p0 [hbm:s6], $0xF7A  }
0x23: {  	s9 =	sor.u32 $0xD0000000, s2;
	s6 =	simm.s32 $0x108;
	_ =	swait.ge @!p0 [sflag:s8], $0x0  }
0x24: {  	s3 =	sadd.s32 $0x88, s3;
	s6 =	simm.s32 @!p1 $0x1082;
	[sflag:s4] =	ssyncset.s32 $0xFFFFF086  }
0x25: {  	[simem:s6], [sflag:s4] =	dma.local [hbm:s3], $0xF7A  }
0x26: {  	[smem:$0x3FA0] =	sst s1;
	(tag) =	ssettag s2;
	_ =	strace s9  }
0x27: {  	s1 =	sld [smem:$0x3FB0]  }
0x28: {  	s2 =	sld [smem:$0x3FB1]  }
0x29: {  	s4 =	sld [smem:$0x3FB3]  }
0x2a: {  	p0 =	seq.s32 s5, $0x0;
	s5 =	sld [smem:$0x3FB4]  }
0x2b: {  	s6 =	sld [smem:$0x3FB5]  }
0x2c: {  	s7 =	sld [smem:$0x3FB6]  }
0x2d: {  	s3 =	simm.s32 $0x108;
	s8 =	sld [smem:$0x3FB7]  }
0x2e: {  	s3 =	simm.s32 @!p0 $0x1082;
	s9 =	sld [smem:$0x3FB8]  }
0x2f: {  	lr =	sadd.s32 s0, s3;
	s0 =	sld [smem:$0x3FAF]  }
0x30: {  	s3 =	sld [smem:$0x3FB2]  }
0x31: {  	[smem:$0x3FBB] =	sst s10  }
0x32: {  	s10 =	sld [smem:$0x3FB9];
	_ =	sdelay $0x3  }
0x33: {  	p0 =	seq.s32 s10, $0x1;
	s10 =	sld [smem:$0x3FBB];
	_ =	sdelay $0x3  }
0x34: {  	[smem:$0x3FBB] =	sst s10  }
0x35: {  	s10 =	sld [smem:$0x3FBA];
	_ =	sdelay $0x3  }
0x36: {  	p1 =	seq.s32 s10, $0x1;
	s10 =	sld [smem:$0x3FBB];
	_ =	sdelay $0x3  }
0x37: {  	[smem:$0x3FBB] =	sst s10  }
0x38: {  	s10 =	sld [smem:$0x3FBC]  }
0x39: {  	_ = 	snop;
	(pc) =	sbr.ind lr, $3  }
0x3a: {  	_ = 	snop  }
0x3b: {  	_ = 	snop  }
0x3c: {  	p2 =	seq.s32 s10, $0x1;
	s10 =	sld [smem:$0x3FBB]  }
0x3d: {  	_ =	shalt  }
0x3e: {  	_ =	shalt  }
0x3f: {  	_ =	shalt  }
0x40: {  	_ =	shalt  }
0x41: {  	_ =	shalt  }
0x42: {  	_ =	shalt  }
0x43: {  	_ =	shalt  }
0x44: {  	_ =	shalt  }
0x45: {  	_ =	shalt  }
0x46: {  	_ =	shalt  }
0x47: {  	_ =	shalt  }
0x48: {  	_ =	shalt  }
0x49: {  	_ =	shalt  }
0x4a: {  	_ =	shalt  }
0x4b: {  	_ =	shalt  }
0x4c: {  	_ =	shalt  }
0x4d: {  	_ =	shalt  }
0x4e: {  	_ =	shalt  }
0x4f: {  	_ =	shalt  }
0x50: {  	_ =	shalt  }
0x51: {  	_ =	shalt  }
0x52: {  	_ =	shalt  }
0x53: {  	_ =	shalt  }
0x54: {  	_ =	shalt  }
0x55: {  	_ =	shalt  }
0x56: {  	_ =	shalt  }
0x57: {  	_ =	shalt  }
0x58: {  	_ =	shalt  }
0x59: {  	_ =	shalt  }
0x5a: {  	_ =	shalt  }
0x5b: {  	_ =	shalt  }
0x5c: {  	_ =	shalt  }
0x5d: {  	_ =	shalt  }
0x5e: {  	_ =	shalt  }
0x5f: {  	_ =	shalt  }
0x60: {  	_ =	shalt  }
0x61: {  	_ =	shalt  }
0x62: {  	_ =	shalt  }
0x63: {  	_ =	shalt  }
0x64: {  	_ =	shalt  }
0x65: {  	_ =	shalt  }
0x66: {  	_ =	shalt  }
0x67: {  	_ =	shalt  }
0x68: {  	_ =	shalt  }
0x69: {  	_ =	shalt  }
0x6a: {  	_ =	shalt  }
0x6b: {  	_ =	shalt  }
0x6c: {  	_ =	shalt  }
0x6d: {  	_ =	shalt  }
0x6e: {  	_ =	shalt  }
0x6f: {  	_ =	shalt  }
0x70: {  	_ =	shalt  }
0x71: {  	_ =	shalt  }
0x72: {  	_ =	shalt  }
0x73: {  	_ =	shalt  }
0x74: {  	_ =	shalt  }
0x75: {  	_ =	shalt  }
0x76: {  	_ =	shalt  }
0x77: {  	_ =	shalt  }
0x78: {  	_ =	shalt  }
0x79: {  	_ =	shalt  }
0x7a: {  	_ =	shalt  }
0x7b: {  	_ =	shalt  }
0x7c: {  	_ =	shalt  }
0x7d: {  	_ =	shalt  }
0x7e: {  	_ =	shalt  }
0x7f: {  	_ =	shalt  }
0x80: {  	_ =	shalt  }
0x81: {  	_ =	shalt  }
0x82: {  	_ =	shalt  }
0x83: {  	_ =	shalt  }
0x84: {  	_ =	shalt  }
0x85: {  	_ =	shalt  }
0x86: {  	_ =	shalt  }
0x87: {  	_ =	shalt  }
.Lfunc_end0:
.L_simem_size_0:
called_computation_lowered:
.L_overlay_start_0:
0x88: {  	s2 =	sld [smem:$0x3FD9]  }
0x89: {  	s3 =	sld [smem:$0x3FFE];
	_ =	sdelay $0x1  }
0x8a: {  	s1 =	srdreg.scid  }
0x8b: {  	s0 =	sand.u32 $0x1, s1  }
0x8c: {  	s17 =	sshll.u32 s0, $0xA;
	s2 =	sadd.s32 s3, s2  }
0x8d: {  	s2 =	sadd.s32 s2, s17  }
0x8e: {  	[smem:$0x3FC7] =	sst s2  }
0x8f: {  	_ = 	snop  }
0x90: {  	s2 =	sld [smem:$0x3FD0];
	(tm) =	ssettm $0x1  }
0x91: {  	s18 =	sld [smem:$0x3FFB];
	_ =	sdelay $0x3  }
0x92: {  	_ =	strace s18  }
0x93: {  	s3 =	sld [smem:$0x3FFC];
	_ =	sdelay $0x3  }
0x94: {  	_ =	strace s3  }
0x95: {  	s3 =	sld [smem:$0x3FFD];
	_ =	sdelay $0x3  }
0x96: {  	_ =	strace s3  }
0x97: {  	_ =	strace $0x8FFFFFFF  }
0x98: {  	s19 =	sld [smem:$0x3FDB];
	_ =	sdelay $0x1  }
0x99: {  	s4 =	simm.s32 $_scs_section_size  }
0x9a: {  	s5 =	simm.s32 $_size__tile_overlayer_lowered;
	s6 =	simm.s32 $_tile_overlayer_lowered  }
0x9b: {  	s22 =	simm.s32 $0x1BFF;
	s21 =	sshll.u32 s6, $0x1;
	s3 =	sadd.s32 s4, s19  }
0x9c: {  	s7 =	simm.s32 $0x0;
	s20 =	sshll.u32 s5, $0x1;
	s5 =	sadd.s32 s21, s3  }
0x9d: {  	[timem:s7], [sflag:s22] =	dma.local [hbm:s5], s20  }
0x9e: {  	_ =	swait.ge [sflag:s22], s20  }
0x9f: {  	s4 =	ssub.s32 $0x0, s20;
	[sflag:s22] =	ssyncset.done $0x0  }
0xa0: {  	[sflag:s22] =	ssyncadd.s32 s4;
	_ =	sdelay $0x1  }
0xa1: {  	s23 =	simm.s32 $0x1B8B  }
0xa2: {  	_ =	swait.ge [sflag:s23], $0x1  }
0xa3: {  	[sflag:s23] =	ssyncset.done $0x0  }
0xa4: {  	s25 =	simm.s32 $0x1B8E;
	s24 =	sld [smem:$0x3FFE];
	[sflag:s23] =	ssyncadd.s32 $0xFFFFFFFF  }
0xa5: {  	s26 =	simm.s32 $execute0_lowered;
	[smem:$0x3FD2] =	sst s25  }
0xa6: {  	s5 =	sshll.u32 s26, $0x1;
	_ =	strace $0x80000046;
	[dreg:$0x1] =	wrdreg $0xFFFFFFFF  }
0xa7: {  	s28 =	simm.s32 $_size_execute0_lowered;
	s3 =	sadd.s32 s3, s5;
	[dreg:$0x0] =	wrdreg $0x0  }
0xa8: {  	s5 =	sshll.u32 s28, $0x1;
	[dreg:$0x2] =	wrdreg s3  }
0xa9: {  	[dreg:$0x3] =	wrdreg s5  }
0xaa: {  	[dreg:$0x4] =	wrdreg $0xC0  }
0xab: {  	_ =	task [dreg:s7], $0x5FFFF  }
0xac: {  	[dreg:$0x1] =	wrdreg $0xFFFFFFFF  }
0xad: {  	[dreg:$0x0] =	wrdreg $0x60  }
0xae: {  	[dreg:$0x2] =	wrdreg s2  }
0xaf: {  	[dreg:$0x3] =	wrdreg s24  }
0xb0: {  	[dreg:$0x4] =	wrdreg $0x9  }
0xb1: {  	_ =	task.clear_ibuf [dreg:s7], $0x5FFFF;
	_ =	strace $0x90000046  }
0xb2: {  	s29 =	simm.s32 $0x9;
	_ =	strace $0x80000048  }
0xb3: {  	_ =	swait.ge [sflag:s29], $0x1  }
0xb4: {  	[sflag:s29] =	ssyncadd.s32 $0xFFFFFFFF  }
0xb5: {  	_ =	strace $0x90000048  }
0xb6: {  	_ =	sfence  }
0xb7: {  	s30 =	sld [smem:$0x0];
	_ =	sdelay $0x2  }
0xb8: {  	s31 =	sshll.u32 s1, $0xD;
	s1 =	sshrl.u32 s1, $0x2  }
0xb9: {  	s3 =	sand.u32 $0x4000, s31;
	s1 =	sadd.s32 s1, s30  }
0xba: {  	s0 =	sor.u32 s3, s0;
	s1 =	sshll.u32 s1, $0x11  }
0xbb: {  	s0 =	sor.u32 s1, s0  }
0xbc: {  	s0 =	sadd.s32 $0x8F2B, s0  }
0xbd: {  	[sflag:s0] =	ssyncadd.remote.s32 $0x1  }
0xbe: {  	_ =	sfence.sel $0xFFFF  }
0xbf: {  	[dreg:$0x0] =	wrdreg $0xFFFFFFFF;
	(pc) =	sbr.abs _section_cstart, $3  }
0xc0: {  	[dreg:$0x1] =	wrdreg $0xFFFFFFFF  }
0xc1: {  	_ =	task.clear_ibuf [dreg:s7], $0x2FFFF;
	_ =	strace $0x9FFFFFFF  }
0xc2: {  	(tm) =	ssettm $0x7FFFFFFF  }
0xc3: {  	_ =	shalt  }
tec
execute0_lowered:
.L_overlay_start_1:
0x0: {  	(tag) =	ssettag $0x1  }
0x1: {  	s0 =	srdreg.scid  }
0x2: {  	s6 =	sand.u32 $0x1, s0;
	s0 =	stileid.u32  }
0x3: {  	s3 =	sor.u32 s0, s6  }
0x4: {  	p0 =	sne.s32 s3, $0x0  }
.Ltmp0:
0x5: {  	_ = 	snop;
	(pc) =	sbr.rel @p0 .LBB2_4-.Ltmp0, $4  }
0x6: {  	_ = 	snop  }
0x7: {  	s2 =	rddreg [dreg:$0x0]  }
0x8: {  	s5 =	rddreg [dreg:$0x1]  }
0x9: {  	s1 =	rddreg [dreg:$0x2];
	_ =	strace $0x80000047  }
0xa: {  	s3 =	simm.s32 $0x0;
	s6 =	ssub.s32 $0x2, s6  }
0xb: {  	[tilespmem:s3], [sflag:$0x2] =	stream.linear.gather [hbm4b:s2+s3], $0x80, $0x38;
	[tilespmem:$0x100] =	vst v63  }
0xc: {  	s4 =	simm.s32 $0x2;
	s7 =	sshrl.u32 s6, $0x1  }
0xd: {  	_ =	swait.ge [sflag:s4], $0x80;
	s9 =	ssub.s32 s6, s7  }
0xe: {  	[sflag:s4] =	ssyncset.done $0x0;
	p0 =	sne.s32 s9, $0x1  }
.Ltmp1:
0xf: {  	v0 =	vimm.f32 $1.000000000e+00;
	[sflag:s4] =	ssyncadd.s32 $0xFFFFFF80;
	(pc) =	sbr.rel @!p0 .LBB2_3-.Ltmp1, $4  }
0x10: {  	[tilespmem:$0xB0] =	vst v0  }
0x11: {  	[tilespmem:$0xA0] =	vst v0  }
0x12: {  	s5 =	sadd.s32 $0x200, s5;
	s8 =	simm.s32 $0x80;
	[tilespmem:$0x80] =	vst v0  }
0x13: {  	s6 =	simm.s32 $0x40;
	s7 =	simm.s32 $0x1;
	s9 =	sadd.s32 $0xFFFFFFFF, s9;
	[tilespmem:$0x90] =	vst v0  }
.LBB2_2:
0x14: {  	[hbm4b:s5+s6] =	stream.indirect.scatter [tilespmem:s8], [sflag:$0x1], $0x1, s3, s6, $0xb8;
	[tilespmem:$0x100] =	vst v63  }
0x15: {  	p0 =	sne.s32 s9, $0x1;
	s9 =	sadd.s32 $0xFFFFFFFF, s9;
	_ =	swait.ge [sflag:s7], $0x40  }
0x16: {  	[sflag:s7] =	ssyncset.done $0x0  }
0x17: {  	[sflag:s7] =	ssyncadd.s32 $0xFFFFFFC0  }
0x18: {  	[tilespmem:s3], [sflag:$0x2] =	stream.linear.gather [hbm4b:s2+s3], $0x80, $0x38;
	[tilespmem:$0x100] =	vst v63  }
0x19: {  	_ =	swait.ge [sflag:s4], $0x80  }
0x1a: {  	[sflag:s4] =	ssyncset.done $0x0  }
.Ltmp2:
0x1b: {  	[sflag:s4] =	ssyncadd.s32 $0xFFFFFF80;
	(pc) =	sbr.rel @p0 .LBB2_2-.Ltmp2, $4  }
0x1c: {  	[tilespmem:$0xB0] =	vst v0  }
0x1d: {  	[tilespmem:$0xA0] =	vst v0  }
0x1e: {  	[tilespmem:$0x80] =	vst v0  }
0x1f: {  	[tilespmem:$0x90] =	vst v0  }
.LBB2_3:
0x20: {  	[hbm4b:s5+s6] =	stream.indirect.scatter [tilespmem:s8], [sflag:$0x1], $0x1, s3, s6, $0xb8;
	[tilespmem:$0x100] =	vst v63  }
0x21: {  	_ =	swait.ge [sflag:s7], $0x40  }
0x22: {  	[sflag:s7] =	ssyncset.done $0x0  }
0x23: {  	[sflag:s7] =	ssyncadd.s32 $0xFFFFFFC0  }
.LBB2_4:
0x24: {  	_ =	sfence.sel $0x180000  }
0x25: {  	[bflag:$0x0] =	sbarrier.arrive $0xFFFF  }
0x26: {  	p0 =	sne.s32 s0, $0x0;
	_ =	strace $0x90000047  }
0x27: {  	s0 =	sadd.s32 @!p0 $0x100000, s1;
	[bflag:$0x2] =	sbarrier.arrive $0xFFFF  }
0x28: {  	[sflag:s0] =	ssyncadd.tile.s32 @!p0 $0x1;
	_ =	shalt  }
.Lfunc_end2:
_tile_overlayer_lowered:
.L_overlay_start_2:
0x29: {  	(tag) =	ssettag $0x2  }
0x2a: {  	s0 =	rddreg [dreg:$0x0];
	s2 =	stileid.u32  }
0x2b: {  	s1 =	rddreg [dreg:$0x1];
	p0 =	sne.s32 s2, $0x0  }
0x2c: {  	s3 =	rddreg [dreg:$0x2];
	[bflag:$0x3] =	sbarrier.arrive $0xFFFF;
	s2 =	simm.s32 @!p0 $0x1C02  }
0x2d: {  	[timem:s3], [sflag:s2] =	dma.local @!p0 [hbm:s0], s1  }
0x2e: {  	s0 =	simm.s32 @!p0 $0x2  }
0x2f: {  	_ =	swait.ge @!p0 [sflag:s0], s1  }
0x30: {  	s1 =	ssub.s32 @!p0 $0x0, s1;
	[sflag:s0] =	ssyncset.done @!p0 $0x0  }
0x31: {  	[sflag:s0] =	ssyncadd.s32 @!p0 s1  }
0x32: {  	[bflag:$0x3] =	sbarrier.arrive $0xFFFF  }
0x33: {  	_ =	shalt  }

</sc_bundles>
